<compile_context>
chip_gen: v7x
topology: tpu7x:2x2x1
jax: 0.10.2.dev20260603
libtpu: 0.0.44.dev20260713+nightly
codegen_flags: <defaults>
</compile_context>

<pallas_src>
import jax
import jax.numpy as jnp
from jax.experimental import pallas as pl
from jax.experimental.pallas import tpu as pltpu

_H = 32


def _store_kernel(buf_obs, buf_act, buf_rew, buf_v_next, buf_done,
                  obs, act, rew, v_next, done_mask,
                  out_obs, out_act, out_rew, out_v_next, out_done):
    i = pl.program_id(0)

    @pl.when(i == 0)
    def _():
        out_obs[0] = obs[...]
        out_act[0] = act[...]
        out_rew[...] = buf_rew[...]
        out_rew[0] = rew[...]
        out_v_next[...] = buf_v_next[...]
        out_v_next[0] = v_next[...]
        out_done[...] = buf_done[...]
        out_done[0] = done_mask[...]

    @pl.when(i > 0)
    def _():
        out_obs[0] = buf_obs[0]
        out_act[0] = buf_act[0]


def kernel(buf_obs, buf_act, buf_rew, buf_v_next, buf_done,
           obs, act, rew, v_next, done_mask):
    h = buf_obs.shape[0]
    n_obs = buf_obs.shape[1] * buf_obs.shape[2]
    n_act = buf_act.shape[1] * buf_act.shape[2]
    n = buf_rew.shape[1]

    bo = buf_obs.reshape(h, n_obs // 128, 128)
    ba = buf_act.reshape(h, n_act // 128, 128)
    br = buf_rew.reshape(h, n // 128, 128)
    bv = buf_v_next.reshape(h, n // 128, 128)
    bd = buf_done.view(jnp.uint8).reshape(h, n // 128, 128)
    o2 = obs.reshape(n_obs // 128, 128)
    a2 = act.reshape(n_act // 128, 128)
    r2 = rew.reshape(n // 128, 128)
    v2 = v_next.reshape(n // 128, 128)
    d2 = done_mask.view(jnp.uint8).reshape(n // 128, 128)

    row = lambda arr: pl.BlockSpec(
        (1,) + arr.shape[1:], lambda i: (i, 0, 0))
    row_clamped = lambda arr: pl.BlockSpec(
        (1,) + arr.shape[1:], lambda i: (jnp.maximum(i, 1), 0, 0))
    whole3 = lambda arr: pl.BlockSpec(arr.shape, lambda i: (0, 0, 0))
    whole2 = lambda arr: pl.BlockSpec(arr.shape, lambda i: (0, 0))

    out_shapes = (
        jax.ShapeDtypeStruct(bo.shape, bo.dtype),
        jax.ShapeDtypeStruct(ba.shape, ba.dtype),
        jax.ShapeDtypeStruct(br.shape, br.dtype),
        jax.ShapeDtypeStruct(bv.shape, bv.dtype),
        jax.ShapeDtypeStruct(bd.shape, bd.dtype),
    )
    out = pl.pallas_call(
        _store_kernel,
        grid=(h,),
        in_specs=[row_clamped(bo), row_clamped(ba),
                  whole3(br), whole3(bv), whole3(bd),
                  whole2(o2), whole2(a2), whole2(r2), whole2(v2), whole2(d2)],
        out_specs=[row(bo), row(ba), whole3(br), whole3(bv), whole3(bd)],
        out_shape=out_shapes,
    )(bo, ba, br, bv, bd, o2, a2, r2, v2, d2)
    return (out[0].reshape(buf_obs.shape), out[1].reshape(buf_act.shape),
            out[2].reshape(h, n), out[3].reshape(h, n),
            out[4].reshape(h, n).view(jnp.bool_))

# --- scband reference (transcript-rebuilt; emitter-appended) ---
"""Pipeline reference for scband-replay-buffer-eqx-8143257994071 (READ-ONLY COPY).

The authoritative reference and input builder live on the scoring server;
editing this copy changes nothing except your own understanding.
"""

import jax, jax.numpy as jnp
import numpy as np

HORIZON = 32
NUM_ENVS = 4096
OBS_SIZE = 256
ACT_SIZE = 64


def setup_inputs(seed: int = 0) -> dict:
    key = jax.random.key(seed)
    ks = jax.random.split(key, 8)
    # per-step experience to store (forward args)
    obs = jax.random.normal(ks[0], (NUM_ENVS, OBS_SIZE), dtype=jnp.float32)
    act = jax.random.normal(ks[1], (NUM_ENVS, ACT_SIZE), dtype=jnp.float32)
    rew = jax.random.normal(ks[2], (NUM_ENVS,), dtype=jnp.float32)
    v_next = jax.random.normal(ks[3], (NUM_ENVS,), dtype=jnp.float32)
    done_mask = jnp.zeros((NUM_ENVS,), dtype=bool)
    # buffer state materialized per init_kwargs (init_fresh: zeros)
    buf_obs = jnp.zeros((HORIZON, NUM_ENVS, OBS_SIZE), dtype=jnp.float32)
    buf_act = jnp.zeros((HORIZON, NUM_ENVS, ACT_SIZE), dtype=jnp.float32)
    buf_rew = jnp.zeros((HORIZON, NUM_ENVS), dtype=jnp.float32)
    buf_v_next = jnp.zeros((HORIZON, NUM_ENVS), dtype=jnp.float32)
    buf_done = jnp.zeros((HORIZON, NUM_ENVS), dtype=bool)
    return {
        "buf_obs": buf_obs,
        "buf_act": buf_act,
        "buf_rew": buf_rew,
        "buf_v_next": buf_v_next,
        "buf_done": buf_done,
        "obs": obs,
        "act": act,
        "rew": rew,
        "v_next": v_next,
        "done_mask": done_mask,
    }


def reference(buf_obs, buf_act, buf_rew, buf_v_next, buf_done,
              obs, act, rew, v_next, done_mask):
    # ReplayBufferEqx.store(): scatter-overwrite at the current write pointer.
    ptr = 0  # fresh buffer -> ptr == 0
    new_obs = buf_obs.at[ptr].set(obs)
    new_act = buf_act.at[ptr].set(act)
    new_rew = buf_rew.at[ptr].set(rew)
    new_v_next = buf_v_next.at[ptr].set(v_next)
    new_done = buf_done.at[ptr].set(done_mask)
    # updated ptr/size bookkeeping (scalars, faithful to store())
    new_ptr = (ptr + 1) % NUM_ENVS
    new_size = jnp.clip(jnp.asarray(0 + 1), max=NUM_ENVS)
    del new_ptr, new_size
    return (new_obs, new_act, new_rew, new_v_next, new_done)

if __name__ == "__main__":
    import jax
    _d = setup_inputs()
    print(jax.jit(kernel)(*tuple(_d.values())))

</pallas_src>

<mosaic_0001>
module attributes {stable_mosaic.version = 14 : i64} {
  func.func @_store_kernel(%arg0: i32, %arg1: memref<1x8192x128xf32, #tpu.memory_space<vmem>>, %arg2: memref<1x2048x128xf32, #tpu.memory_space<vmem>>, %arg3: memref<32x32x128xf32, #tpu.memory_space<vmem>>, %arg4: memref<32x32x128xf32, #tpu.memory_space<vmem>>, %arg5: memref<32x32x128xi8, #tpu.memory_space<vmem>>, %arg6: memref<8192x128xf32, #tpu.memory_space<vmem>>, %arg7: memref<2048x128xf32, #tpu.memory_space<vmem>>, %arg8: memref<32x128xf32, #tpu.memory_space<vmem>>, %arg9: memref<32x128xf32, #tpu.memory_space<vmem>>, %arg10: memref<32x128xi8, #tpu.memory_space<vmem>>, %arg11: memref<1x8192x128xf32, #tpu.memory_space<vmem>>, %arg12: memref<1x2048x128xf32, #tpu.memory_space<vmem>>, %arg13: memref<32x32x128xf32, #tpu.memory_space<vmem>>, %arg14: memref<32x32x128xf32, #tpu.memory_space<vmem>>, %arg15: memref<32x32x128xi8, #tpu.memory_space<vmem>>) attributes {dimension_semantics = [#tpu.dimension_semantics<arbitrary>], iteration_bounds = array<i64: 32>, scalar_prefetch = 0 : i64, scratch_operands = 0 : i64, tpu.core_type = #tpu.core_type<tc>, window_params = [{transform_indices = @transform_0, window_bounds = array<i64: 1, 8192, 128>}, {transform_indices = @transform_1, window_bounds = array<i64: 1, 2048, 128>}, {pipeline_mode = #tpu.pipeline_mode<synchronous>, transform_indices = @transform_2, window_bounds = array<i64: 32, 32, 128>}, {pipeline_mode = #tpu.pipeline_mode<synchronous>, transform_indices = @transform_3, window_bounds = array<i64: 32, 32, 128>}, {pipeline_mode = #tpu.pipeline_mode<synchronous>, transform_indices = @transform_4, window_bounds = array<i64: 32, 32, 128>}, {pipeline_mode = #tpu.pipeline_mode<synchronous>, transform_indices = @transform_5, window_bounds = array<i64: 8192, 128>}, {pipeline_mode = #tpu.pipeline_mode<synchronous>, transform_indices = @transform_6, window_bounds = array<i64: 2048, 128>}, {pipeline_mode = #tpu.pipeline_mode<synchronous>, transform_indices = @transform_7, window_bounds = array<i64: 32, 128>}, {pipeline_mode = #tpu.pipeline_mode<synchronous>, transform_indices = @transform_8, window_bounds = array<i64: 32, 128>}, {pipeline_mode = #tpu.pipeline_mode<synchronous>, transform_indices = @transform_9, window_bounds = array<i64: 32, 128>}, {transform_indices = @transform_10, window_bounds = array<i64: 1, 8192, 128>}, {transform_indices = @transform_11, window_bounds = array<i64: 1, 2048, 128>}, {pipeline_mode = #tpu.pipeline_mode<synchronous>, transform_indices = @transform_12, window_bounds = array<i64: 32, 32, 128>}, {pipeline_mode = #tpu.pipeline_mode<synchronous>, transform_indices = @transform_13, window_bounds = array<i64: 32, 32, 128>}, {pipeline_mode = #tpu.pipeline_mode<synchronous>, transform_indices = @transform_14, window_bounds = array<i64: 32, 32, 128>}]} {
    %eq3A = arith.constant 0 : i32
    %eq3A_0 = arith.cmpi eq, %arg0, %eq3A : i32
    %convert_element_type3A = arith.extui %eq3A_0 : i1 to i32
    %cond3A = arith.constant 0 : i32
    %cond3A_1 = arith.cmpi ne, %convert_element_type3A, %cond3A : i32
    scf.if %cond3A_1 {
      %get3A = arith.constant 0 : index
      %get3A_6 = arith.constant 0 : index
      %get3A_7 = vector.load %arg6[%get3A, %get3A_6] : memref<8192x128xf32, #tpu.memory_space<vmem>>, vector<8192x128xf32>
      %swap3A = arith.constant 0 : index
      %swap3A_8 = arith.constant 0 : index
      %swap3A_9 = arith.constant 0 : index
      %swap3A_10 = vector.load %arg11[%swap3A, %swap3A_8, %swap3A_9] : memref<1x8192x128xf32, #tpu.memory_space<vmem>>, vector<1x8192x128xf32>
      %swap3A_11 = vector.shape_cast %swap3A_10 : vector<1x8192x128xf32> to vector<8192x128xf32>
      %swap3A_12 = vector.shape_cast %get3A_7 : vector<8192x128xf32> to vector<1x8192x128xf32>
      tpu.vector_store %arg11[%swap3A, %swap3A_8, %swap3A_9], %swap3A_12 {strides = array<i32>} : memref<1x8192x128xf32, #tpu.memory_space<vmem>>, vector<1x8192x128xf32>,
      %get3A_13 = arith.constant 0 : index
      %get3A_14 = arith.constant 0 : index
      %get3A_15 = vector.load %arg7[%get3A_13, %get3A_14] : memref<2048x128xf32, #tpu.memory_space<vmem>>, vector<2048x128xf32>
      %swap3A_16 = arith.constant 0 : index
      %swap3A_17 = arith.constant 0 : index
      %swap3A_18 = arith.constant 0 : index
      %swap3A_19 = vector.load %arg12[%swap3A_16, %swap3A_17, %swap3A_18] : memref<1x2048x128xf32, #tpu.memory_space<vmem>>, vector<1x2048x128xf32>
      %swap3A_20 = vector.shape_cast %swap3A_19 : vector<1x2048x128xf32> to vector<2048x128xf32>
      %swap3A_21 = vector.shape_cast %get3A_15 : vector<2048x128xf32> to vector<1x2048x128xf32>
      tpu.vector_store %arg12[%swap3A_16, %swap3A_17, %swap3A_18], %swap3A_21 {strides = array<i32>} : memref<1x2048x128xf32, #tpu.memory_space<vmem>>, vector<1x2048x128xf32>,
      %get3A_22 = arith.constant 0 : index
      %get3A_23 = arith.constant 0 : index
      %get3A_24 = arith.constant 0 : index
      %get3A_25 = vector.load %arg3[%get3A_22, %get3A_23, %get3A_24] : memref<32x32x128xf32, #tpu.memory_space<vmem>>, vector<32x32x128xf32>
      %swap3A_26 = arith.constant 0 : index
      %swap3A_27 = arith.constant 0 : index
      %swap3A_28 = arith.constant 0 : index
      %swap3A_29 = vector.load %arg13[%swap3A_26, %swap3A_27, %swap3A_28] : memref<32x32x128xf32, #tpu.memory_space<vmem>>, vector<32x32x128xf32>
      tpu.vector_store %arg13[%swap3A_26, %swap3A_27, %swap3A_28], %get3A_25 {strides = array<i32>} : memref<32x32x128xf32, #tpu.memory_space<vmem>>, vector<32x32x128xf32>,
      %get3A_30 = arith.constant 0 : index
      %get3A_31 = arith.constant 0 : index
      %get3A_32 = vector.load %arg8[%get3A_30, %get3A_31] : memref<32x128xf32, #tpu.memory_space<vmem>>, vector<32x128xf32>
      %swap3A_33 = arith.constant 0 : index
      %swap3A_34 = arith.constant 0 : index
      %swap3A_35 = arith.constant 0 : index
      %swap3A_36 = vector.load %arg13[%swap3A_33, %swap3A_34, %swap3A_35] : memref<32x32x128xf32, #tpu.memory_space<vmem>>, vector<1x32x128xf32>
      %swap3A_37 = vector.shape_cast %swap3A_36 : vector<1x32x128xf32> to vector<32x128xf32>
      %swap3A_38 = vector.shape_cast %get3A_32 : vector<32x128xf32> to vector<1x32x128xf32>
      tpu.vector_store %arg13[%swap3A_33, %swap3A_34, %swap3A_35], %swap3A_38 {strides = array<i32>} : memref<32x32x128xf32, #tpu.memory_space<vmem>>, vector<1x32x128xf32>,
      %get3A_39 = arith.constant 0 : index
      %get3A_40 = arith.constant 0 : index
      %get3A_41 = arith.constant 0 : index
      %get3A_42 = vector.load %arg4[%get3A_39, %get3A_40, %get3A_41] : memref<32x32x128xf32, #tpu.memory_space<vmem>>, vector<32x32x128xf32>
      %swap3A_43 = arith.constant 0 : index
      %swap3A_44 = arith.constant 0 : index
      %swap3A_45 = arith.constant 0 : index
      %swap3A_46 = vector.load %arg14[%swap3A_43, %swap3A_44, %swap3A_45] : memref<32x32x128xf32, #tpu.memory_space<vmem>>, vector<32x32x128xf32>
      tpu.vector_store %arg14[%swap3A_43, %swap3A_44, %swap3A_45], %get3A_42 {strides = array<i32>} : memref<32x32x128xf32, #tpu.memory_space<vmem>>, vector<32x32x128xf32>,
      %get3A_47 = arith.constant 0 : index
      %get3A_48 = arith.constant 0 : index
      %get3A_49 = vector.load %arg9[%get3A_47, %get3A_48] : memref<32x128xf32, #tpu.memory_space<vmem>>, vector<32x128xf32>
      %swap3A_50 = arith.constant 0 : index
      %swap3A_51 = arith.constant 0 : index
      %swap3A_52 = arith.constant 0 : index
      %swap3A_53 = vector.load %arg14[%swap3A_50, %swap3A_51, %swap3A_52] : memref<32x32x128xf32, #tpu.memory_space<vmem>>, vector<1x32x128xf32>
      %swap3A_54 = vector.shape_cast %swap3A_53 : vector<1x32x128xf32> to vector<32x128xf32>
      %swap3A_55 = vector.shape_cast %get3A_49 : vector<32x128xf32> to vector<1x32x128xf32>
      tpu.vector_store %arg14[%swap3A_50, %swap3A_51, %swap3A_52], %swap3A_55 {strides = array<i32>} : memref<32x32x128xf32, #tpu.memory_space<vmem>>, vector<1x32x128xf32>,
      %get3A_56 = arith.constant 0 : index
      %get3A_57 = arith.constant 0 : index
      %get3A_58 = arith.constant 0 : index
      %get3A_59 = vector.load %arg5[%get3A_56, %get3A_57, %get3A_58] : memref<32x32x128xi8, #tpu.memory_space<vmem>>, vector<32x32x128xi8>
      %swap3A_60 = arith.constant 0 : index
      %swap3A_61 = arith.constant 0 : index
      %swap3A_62 = arith.constant 0 : index
      %swap3A_63 = vector.load %arg15[%swap3A_60, %swap3A_61, %swap3A_62] : memref<32x32x128xi8, #tpu.memory_space<vmem>>, vector<32x32x128xi8>
      tpu.vector_store %arg15[%swap3A_60, %swap3A_61, %swap3A_62], %get3A_59 {strides = array<i32>} : memref<32x32x128xi8, #tpu.memory_space<vmem>>, vector<32x32x128xi8>,
      %get3A_64 = arith.constant 0 : index
      %get3A_65 = arith.constant 0 : index
      %get3A_66 = vector.load %arg10[%get3A_64, %get3A_65] : memref<32x128xi8, #tpu.memory_space<vmem>>, vector<32x128xi8>
      %swap3A_67 = arith.constant 0 : index
      %swap3A_68 = arith.constant 0 : index
      %swap3A_69 = arith.constant 0 : index
      %swap3A_70 = vector.load %arg15[%swap3A_67, %swap3A_68, %swap3A_69] : memref<32x32x128xi8, #tpu.memory_space<vmem>>, vector<1x32x128xi8>
      %swap3A_71 = vector.shape_cast %swap3A_70 : vector<1x32x128xi8> to vector<32x128xi8>
      %swap3A_72 = vector.shape_cast %get3A_66 : vector<32x128xi8> to vector<1x32x128xi8>
      tpu.vector_store %arg15[%swap3A_67, %swap3A_68, %swap3A_69], %swap3A_72 {strides = array<i32>} : memref<32x32x128xi8, #tpu.memory_space<vmem>>, vector<1x32x128xi8>,
    } else {
    }
    %gt3A = arith.constant 0 : i32
    %gt3A_2 = arith.cmpi sgt, %arg0, %gt3A : i32
    %convert_element_type3A_3 = arith.extui %gt3A_2 : i1 to i32
    %cond3A_4 = arith.constant 0 : i32
    %cond3A_5 = arith.cmpi ne, %convert_element_type3A_3, %cond3A_4 : i32
    scf.if %cond3A_5 {
      %get3A = arith.constant 0 : index
      %get3A_6 = arith.constant 0 : index
      %get3A_7 = arith.constant 0 : index
      %get3A_8 = vector.load %arg1[%get3A, %get3A_6, %get3A_7] : memref<1x8192x128xf32, #tpu.memory_space<vmem>>, vector<1x8192x128xf32>
      %get3A_9 = vector.shape_cast %get3A_8 : vector<1x8192x128xf32> to vector<8192x128xf32>
      %swap3A = arith.constant 0 : index
      %swap3A_10 = arith.constant 0 : index
      %swap3A_11 = arith.constant 0 : index
      %swap3A_12 = vector.load %arg11[%swap3A, %swap3A_10, %swap3A_11] : memref<1x8192x128xf32, #tpu.memory_space<vmem>>, vector<1x8192x128xf32>
      %swap3A_13 = vector.shape_cast %swap3A_12 : vector<1x8192x128xf32> to vector<8192x128xf32>
      %swap3A_14 = vector.shape_cast %get3A_9 : vector<8192x128xf32> to vector<1x8192x128xf32>
      tpu.vector_store %arg11[%swap3A, %swap3A_10, %swap3A_11], %swap3A_14 {strides = array<i32>} : memref<1x8192x128xf32, #tpu.memory_space<vmem>>, vector<1x8192x128xf32>,
      %get3A_15 = arith.constant 0 : index
      %get3A_16 = arith.constant 0 : index
      %get3A_17 = arith.constant 0 : index
      %get3A_18 = vector.load %arg2[%get3A_15, %get3A_16, %get3A_17] : memref<1x2048x128xf32, #tpu.memory_space<vmem>>, vector<1x2048x128xf32>
      %get3A_19 = vector.shape_cast %get3A_18 : vector<1x2048x128xf32> to vector<2048x128xf32>
      %swap3A_20 = arith.constant 0 : index
      %swap3A_21 = arith.constant 0 : index
      %swap3A_22 = arith.constant 0 : index
      %swap3A_23 = vector.load %arg12[%swap3A_20, %swap3A_21, %swap3A_22] : memref<1x2048x128xf32, #tpu.memory_space<vmem>>, vector<1x2048x128xf32>
      %swap3A_24 = vector.shape_cast %swap3A_23 : vector<1x2048x128xf32> to vector<2048x128xf32>
      %swap3A_25 = vector.shape_cast %get3A_19 : vector<2048x128xf32> to vector<1x2048x128xf32>
      tpu.vector_store %arg12[%swap3A_20, %swap3A_21, %swap3A_22], %swap3A_25 {strides = array<i32>} : memref<1x2048x128xf32, #tpu.memory_space<vmem>>, vector<1x2048x128xf32>,
    } else {
    }
    return
  }
  func.func @transform_0(%arg0: i32) -> (i32, i32, i32) {
    %max3A = arith.constant 1 : i32
    %max3A_0 = arith.maxsi %arg0, %max3A : i32
    %c0_i32 = arith.constant 0 : i32
    %c0_i32_1 = arith.constant 0 : i32
    %c0_i32_2 = arith.constant 0 : i32
    return %max3A_0, %c0_i32, %c0_i32_1 : i32, i32, i32
  }
  func.func @transform_1(%arg0: i32) -> (i32, i32, i32) {
    %max3A = arith.constant 1 : i32
    %max3A_0 = arith.maxsi %arg0, %max3A : i32
    %c0_i32 = arith.constant 0 : i32
    %c0_i32_1 = arith.constant 0 : i32
    %c0_i32_2 = arith.constant 0 : i32
    return %max3A_0, %c0_i32, %c0_i32_1 : i32, i32, i32
  }
  func.func @transform_2(%arg0: i32) -> (i32, i32, i32) {
    %c0_i32 = arith.constant 0 : i32
    %c0_i32_0 = arith.constant 0 : i32
    %c0_i32_1 = arith.constant 0 : i32
    %c0_i32_2 = arith.constant 0 : i32
    return %c0_i32, %c0_i32_0, %c0_i32_1 : i32, i32, i32
  }
  func.func @transform_3(%arg0: i32) -> (i32, i32, i32) {
    %c0_i32 = arith.constant 0 : i32
    %c0_i32_0 = arith.constant 0 : i32
    %c0_i32_1 = arith.constant 0 : i32
    %c0_i32_2 = arith.constant 0 : i32
    return %c0_i32, %c0_i32_0, %c0_i32_1 : i32, i32, i32
  }
  func.func @transform_4(%arg0: i32) -> (i32, i32, i32) {
    %c0_i32 = arith.constant 0 : i32
    %c0_i32_0 = arith.constant 0 : i32
    %c0_i32_1 = arith.constant 0 : i32
    %c0_i32_2 = arith.constant 0 : i32
    return %c0_i32, %c0_i32_0, %c0_i32_1 : i32, i32, i32
  }
  func.func @transform_5(%arg0: i32) -> (i32, i32) {
    %c0_i32 = arith.constant 0 : i32
    %c0_i32_0 = arith.constant 0 : i32
    %c0_i32_1 = arith.constant 0 : i32
    return %c0_i32, %c0_i32_0 : i32, i32
  }
  func.func @transform_6(%arg0: i32) -> (i32, i32) {
    %c0_i32 = arith.constant 0 : i32
    %c0_i32_0 = arith.constant 0 : i32
    %c0_i32_1 = arith.constant 0 : i32
    return %c0_i32, %c0_i32_0 : i32, i32
  }
  func.func @transform_7(%arg0: i32) -> (i32, i32) {
    %c0_i32 = arith.constant 0 : i32
    %c0_i32_0 = arith.constant 0 : i32
    %c0_i32_1 = arith.constant 0 : i32
    return %c0_i32, %c0_i32_0 : i32, i32
  }
  func.func @transform_8(%arg0: i32) -> (i32, i32) {
    %c0_i32 = arith.constant 0 : i32
    %c0_i32_0 = arith.constant 0 : i32
    %c0_i32_1 = arith.constant 0 : i32
    return %c0_i32, %c0_i32_0 : i32, i32
  }
  func.func @transform_9(%arg0: i32) -> (i32, i32) {
    %c0_i32 = arith.constant 0 : i32
    %c0_i32_0 = arith.constant 0 : i32
    %c0_i32_1 = arith.constant 0 : i32
    return %c0_i32, %c0_i32_0 : i32, i32
  }
  func.func @transform_10(%arg0: i32) -> (i32, i32, i32) {
    %c0_i32 = arith.constant 0 : i32
    %c0_i32_0 = arith.constant 0 : i32
    %c0_i32_1 = arith.constant 0 : i32
    return %arg0, %c0_i32, %c0_i32_0 : i32, i32, i32
  }
  func.func @transform_11(%arg0: i32) -> (i32, i32, i32) {
    %c0_i32 = arith.constant 0 : i32
    %c0_i32_0 = arith.constant 0 : i32
    %c0_i32_1 = arith.constant 0 : i32
    return %arg0, %c0_i32, %c0_i32_0 : i32, i32, i32
  }
  func.func @transform_12(%arg0: i32) -> (i32, i32, i32) {
    %c0_i32 = arith.constant 0 : i32
    %c0_i32_0 = arith.constant 0 : i32
    %c0_i32_1 = arith.constant 0 : i32
    %c0_i32_2 = arith.constant 0 : i32
    return %c0_i32, %c0_i32_0, %c0_i32_1 : i32, i32, i32
  }
  func.func @transform_13(%arg0: i32) -> (i32, i32, i32) {
    %c0_i32 = arith.constant 0 : i32
    %c0_i32_0 = arith.constant 0 : i32
    %c0_i32_1 = arith.constant 0 : i32
    %c0_i32_2 = arith.constant 0 : i32
    return %c0_i32, %c0_i32_0, %c0_i32_1 : i32, i32, i32
  }
  func.func @transform_14(%arg0: i32) -> (i32, i32, i32) {
    %c0_i32 = arith.constant 0 : i32
    %c0_i32_0 = arith.constant 0 : i32
    %c0_i32_1 = arith.constant 0 : i32
    %c0_i32_2 = arith.constant 0 : i32
    return %c0_i32, %c0_i32_0, %c0_i32_1 : i32, i32, i32
  }
}

</mosaic_0001>

<sc_bundles>
// kernel: sparse-core-data-format-call.cloned.1.call-start
scs
called_computation_lowered:
.L_overlay_start_0:
0x0: {  	s2 =	sld [smem:$0x3FD9]  }
0x1: {  	s3 =	sld [smem:$0x3FFE];
	_ =	sdelay $0x1  }
0x2: {  	s1 =	srdreg.scid  }
0x3: {  	s0 =	sand.u32 $0x1, s1  }
0x4: {  	s15 =	sshll.u32 s0, $0xA;
	s2 =	sadd.s32 s3, s2  }
0x5: {  	s2 =	sadd.s32 s2, s15  }
0x6: {  	[smem:$0x3FBE] =	sst s2  }
0x7: {  	_ = 	snop  }
0x8: {  	s2 =	sld [smem:$0x3FD0];
	_ =	sdelay $0x2  }
0x9: {  	s16 =	simm.s32 $0xA;
	s4 =	simm.s32 $0x10  }
0xa: {  	[smem:s4], [sflag:s16] =	dma.local [hbm:s2], $0x1  }
0xb: {  	_ =	swait.eq [sflag:s16], $0x1  }
0xc: {  	[sflag:s16] =	ssyncset.done $0x0  }
0xd: {  	[sflag:s16] =	ssyncadd.s32 $0xFFFFFFFF  }
0xe: {  	s17 =	sld [smem:$0x11];
	(tm) =	ssettm $0x1  }
0xf: {  	s18 =	sld [smem:$0x3FFB];
	_ =	sdelay $0x3  }
0x10: {  	_ =	strace s18  }
0x11: {  	s3 =	sld [smem:$0x3FFC];
	_ =	sdelay $0x3  }
0x12: {  	_ =	strace s3  }
0x13: {  	s3 =	sld [smem:$0x3FFD];
	_ =	sdelay $0x3  }
0x14: {  	_ =	strace s3  }
0x15: {  	_ =	strace $0x8FFFFFFF  }
0x16: {  	s19 =	sld [smem:$0x3FDB];
	_ =	sdelay $0x1  }
0x17: {  	s20 =	simm.s32 $_scs_section_size  }
0x18: {  	s5 =	simm.s32 $_size__tile_overlayer_lowered;
	s6 =	simm.s32 $_tile_overlayer_lowered  }
0x19: {  	s23 =	simm.s32 $0x1BFF;
	s22 =	sshll.u32 s6, $0x1;
	s3 =	sadd.s32 s20, s19  }
0x1a: {  	s7 =	simm.s32 $0x0;
	s21 =	sshll.u32 s5, $0x1;
	s5 =	sadd.s32 s22, s3  }
0x1b: {  	[timem:s7], [sflag:s23] =	dma.local [hbm:s5], s21  }
0x1c: {  	_ =	swait.ge [sflag:s23], s21  }
0x1d: {  	s4 =	ssub.s32 $0x0, s21;
	[sflag:s23] =	ssyncset.done $0x0  }
0x1e: {  	[sflag:s23] =	ssyncadd.s32 s4;
	_ =	sdelay $0x1  }
0x1f: {  	s24 =	simm.s32 $0x1B8B  }
0x20: {  	_ =	swait.ge [sflag:s24], $0x1  }
0x21: {  	[sflag:s24] =	ssyncset.done $0x0  }
0x22: {  	s26 =	simm.s32 $0x1B8E;
	s25 =	sld [smem:$0x3FFE];
	[sflag:s24] =	ssyncadd.s32 $0xFFFFFFFF  }
0x23: {  	s27 =	simm.s32 $execute0_lowered;
	[smem:$0x3FD2] =	sst s26  }
0x24: {  	s5 =	sshll.u32 s27, $0x1;
	_ =	strace $0x80000046;
	[dreg:$0x1] =	wrdreg $0xFFFFFFFF  }
0x25: {  	s28 =	simm.s32 $_size_execute0_lowered;
	s3 =	sadd.s32 s3, s5;
	[dreg:$0x0] =	wrdreg $0x0  }
0x26: {  	s5 =	sshll.u32 s28, $0x1;
	[dreg:$0x2] =	wrdreg s3  }
0x27: {  	[dreg:$0x3] =	wrdreg s5  }
0x28: {  	[dreg:$0x4] =	wrdreg $0xC0  }
0x29: {  	_ =	task [dreg:s7], $0x5FFFF  }
0x2a: {  	[dreg:$0x1] =	wrdreg $0xFFFFFFFF  }
0x2b: {  	[dreg:$0x0] =	wrdreg $0x60  }
0x2c: {  	[dreg:$0x2] =	wrdreg s25  }
0x2d: {  	[dreg:$0x3] =	wrdreg s17  }
0x2e: {  	[dreg:$0x4] =	wrdreg $0x9  }
0x2f: {  	_ =	task.clear_ibuf [dreg:s7], $0x5FFFF;
	_ =	strace $0x90000046  }
0x30: {  	s29 =	simm.s32 $0x9;
	_ =	strace $0x80000048  }
0x31: {  	_ =	swait.ge [sflag:s29], $0x1  }
0x32: {  	[sflag:s29] =	ssyncadd.s32 $0xFFFFFFFF  }
0x33: {  	_ =	strace $0x90000048  }
0x34: {  	_ =	sfence  }
0x35: {  	s30 =	sld [smem:$0x0];
	_ =	sdelay $0x2  }
0x36: {  	s31 =	sshll.u32 s1, $0xD;
	s1 =	sshrl.u32 s1, $0x2  }
0x37: {  	s3 =	sand.u32 $0x4000, s31;
	s1 =	sadd.s32 s1, s30  }
0x38: {  	s0 =	sor.u32 s3, s0;
	s1 =	sshll.u32 s1, $0x11  }
0x39: {  	s0 =	sor.u32 s1, s0  }
0x3a: {  	s0 =	sadd.s32 $0x8F2B, s0  }
0x3b: {  	[sflag:s0] =	ssyncadd.remote.s32 $0x1  }
0x3c: {  	_ =	sfence.sel $0xFFFF  }
0x3d: {  	[dreg:$0x0] =	wrdreg $0xFFFFFFFF;
	(pc) =	sbr.abs _section_cstart, $3  }
0x3e: {  	[dreg:$0x1] =	wrdreg $0xFFFFFFFF  }
0x3f: {  	_ =	task.clear_ibuf [dreg:s7], $0x2FFFF;
	_ =	strace $0x9FFFFFFF  }
0x40: {  	(tm) =	ssettm $0x7FFFFFFF  }
0x41: {  	_ =	shalt  }
tec
execute0_lowered:
.L_overlay_start_1:
0x0: {  	(tag) =	ssettag $0x1  }
0x1: {  	s8 =	rddreg [dreg:$0x0]  }
0x2: {  	s2 =	rddreg [dreg:$0x1]  }
0x3: {  	s1 =	stileid.u32;
	s4 =	srdreg.scid  }
0x4: {  	s0 =	rddreg [dreg:$0x2];
	_ =	strace $0x80000047;
	s9 =	simm.s32 $0x1  }
0x5: {  	s31 =	simm.s32 $0x2;
	s14 =	simm.s32 $0x0;
	s15 =	simm.s32 $0x0  }
0x6: {  	s13 =	simm.s32 $0x0;
	s3 =	sshll.u32 s1, $0x1;
	s4 =	sshll.u32 s4, $0x7  }
0x7: {  	s4 =	sand.u32 $0x80, s4;
	s5 =	ssub.s32 $0x20, s3;
	s12 =	smov.u32 s3  }
0x8: {  	s6 =	sshrl.u32 s5, $0x5;
	s5 =	sand.u32 $0x1E, s5;
	s7 =	ssub.s32 $0x1000, s4  }
0x9: {  	p0 =	sne.s32 s5, $0x0;
	s30 =	sshrl.u32 s7, $0x7;
	s7 =	sshrl.u32 s7, $0x8  }
.Ltmp0:
0xa: {  	s9 =	simm.s32 @!p0 $0x0;
	s10 =	sand.u32 $0x1, s30;
	(pc) =	sbr.rel .LBB1_1-.Ltmp0, $4  }
0xb: {  	s5 =	simm.s32 $0x1;
	s6 =	sadd.s32 s9, s6;
	s7 =	sadd.s32 s7, s10  }
0xc: {  	s11 =	smov.u32 s4;
	[sflag:s5] =	ssyncpa.u1 $0x0;
	s6 =	smul.u32 s6, s7  }
0xd: {  	p0 =	por $0x0, $0x0;
	[sflag:s31] =	ssyncpa.u1 $0x0;
	s10 =	simm.s32 $0x8000  }
0xe: {  	s7 =	sadd.s32 $0x501800, s8;
	s8 =	sadd.s32 $0x511800, s8;
	s9 =	sadd.s32 $0x1, s6  }
.LBB1_7:
0xf: {  	s16 =	sadd.s32 $0x100, s11  }
0x10: {  	s14 =	sadd.s32 $0x20, s12;
	s18 =	smov.u32 s12;
	p2 =	sgt.s32 s16, $0xFFF  }
0x11: {  	s18 =	smov.u32 @p2 s14  }
0x12: {  	s16 =	smov.u32 @p2 s4;
	p2 =	sgt.s32 s18, $0x1F  }
0x13: {  	s18 =	smov.u32 @p2 s3;
	p2 =	sne.s32 s13, s9  }
.Ltmp1:
0x14: {  	p1 =	slt.u32 s13, $0x2;
	(pc) =	sbr.rel @!p2 .LBB1_8-.Ltmp1, $4  }
0x15: {  	s17 =	simm.s32 @!p1 $0x2  }
0x16: {  	s15 =	smov.u32 s12;
	p0 =	por !p0, !p0;
	_ =	swait.ge @!p1 [sflag:s17], $0x4000  }
0x17: {  	s14 =	smov.u32 s11;
	[sflag:s17] =	ssyncset.done @!p1 $0x0;
	s11 =	smov.u32 s16  }
0x18: {  	s13 =	sadd.s32 $0x1, s13;
	[sflag:s17] =	ssyncadd.s32 @!p1 $0xFFFFC000;
	s12 =	smov.u32 s18  }
.LBB1_1:
0x19: {  	p1 =	sge.u32 s13, s6  }
0x1a: {  	s16 =	sxor.u32 @!p1 $0xFFFFFFFF, s13;
	s17 =	sshll.u32 @!p1 s12, $0x10  }
0x1b: {  	s18 =	sshll.u32 @!p1 s11, $0x4;
	s20 =	simm.s32 @!p1 $0x40;
	s21 =	simm.s32 @!p1 $0x80  }
0x1c: {  	s16 =	sshll.u32 @!p1 s16, $0xE;
	s18 =	sand.u32 @!p1 $0xFFF0, s18;
	s19 =	sadd.s32 @!p1 s7, s17  }
0x1d: {  	s17 =	sadd.s32 @!p1 s17, s8;
	s16 =	sand.u32 @!p1 $0x4000, s16;
	s19 =	sadd.s32 @!p1 s18, s19  }
0x1e: {  	[tilespmem:s16], [sflag:$0x1] =	stream.strided.gather @!p1 [hbm4b:s19+s20], $0x2000, s21, s20, $0x38;
	[tilespmem:$0x10100] =	vst v63  }
0x1f: {  	s31 =	sadd.s32 $0xFFFFFFFF, s13;
	s17 =	sadd.s32 @!p1 s18, s17;
	s16 =	sor.u32 @!p1 $0x2000, s16  }
0x20: {  	[tilespmem:s16], [sflag:$0x1] =	stream.strided.gather @!p1 [hbm4b:s17+s20], $0x2000, s21, s20, $0x38;
	[tilespmem:$0x10100] =	vst v63  }
0x21: {  	p1 =	sge.u32 s31, s6  }
.Ltmp2:
0x22: {  	_ = 	snop;
	(pc) =	sbr.rel @p1 .LBB1_7-.Ltmp2, $1  }
0x23: {  	_ =	sdelay $0x3  }
0x24: {  	s16 =	simm.s32 $0x1;
	s18 =	sand.u32 $0x1, s13  }
0x25: {  	_ =	swait.ge [sflag:s5], $0x4000;
	s16 =	simm.s32 @!p0 $0x0;
	s18 =	smul.u32 $0x10200, s18  }
0x26: {  	p2 =	por $0x1, $0x1;
	[sflag:s5] =	ssyncset.done $0x0;
	s17 =	smul.u32 $0x10200, s16  }
0x27: {  	s19 =	sshll.u32 s16, $0x10;
	[sflag:s5] =	ssyncadd.s32 $0xFFFFC000;
	s30 =	sshrl.u32 s18, $0x2  }
0x28: {  	s31 =	sshrl.u32 s19, $0x2;
	s19 =	simm.s32 $0x0;
	s17 =	sshrl.u32 s17, $0x2  }
0x29: {  	s16 =	sor.u32 $0x8000, s30;
	s18 =	sadd.s32 $0x20, s31;
	s17 =	sor.u32 $0x8000, s17  }
.LBB1_3:
0x2a: {  	s20 =	sshll.u32 s19, $0xD  }
0x2b: {  	s20 =	sand.u32 $0x3FFFE000, s20  }
0x2c: {  	s22 =	sadd.s32 s20, s18  }
0x2d: {  	s31 =	smul.u32 $0x8100, s19;
	v3 =	vld [tilespmem:s22+$0x10]  }
0x2e: {  	v1 =	vld [tilespmem:s22+$0xFFFFFFF0]  }
0x2f: {  	s19 =	sshra.s32 s31, $0x2;
	v0 =	vld [tilespmem:s22+$0x0]  }
0x30: {  	s19 =	sadd.s32 s19, s17;
	v2 =	vld [tilespmem:s22+$0xFFFFFFE0]  }
0x31: {  	s20 =	sadd.s32 $0x0, s19  }
0x32: {  	p1 =	por p2, p2;
	s21 =	simm.s32 $0x4;
	s22 =	sadd.s32 $0x40, s22;
	[tilespmem:s20+$0x1830 ss:$0x81] =	vst.msk $0xffff, v3  }
.LBB1_4:
0x33: {  	v3 =	vld [tilespmem:s22+$0x10];
	p2 =	sne.s32 s21, $0x1FC;
	[tilespmem:s20+$0x810 ss:$0x81] =	vst.msk $0xffff, v1;
	s23 =	smov.u32 s21;
	s21 =	sadd.s32 $0x4, s21  }
.Ltmp3:
0x34: {  	v1 =	vld [tilespmem:s22+$0xFFFFFFF0];
	[tilespmem:s20+$0x1020 ss:$0x81] =	vst.msk $0xffff, v0;
	(pc) =	sbr.rel @p2 .LBB1_4-.Ltmp3, $4  }
0x35: {  	v0 =	vld [tilespmem:s22+$0x0];
	[tilespmem:s20+$0x0 ss:$0x81] =	vst.msk $0xffff, v2  }
0x36: {  	s20 =	sshra.s32 s23, $0x2;
	v2 =	vld [tilespmem:s22+$0xFFFFFFE0]  }
0x37: {  	s20 =	sadd.s32 s20, s19  }
0x38: {  	s22 =	sadd.s32 $0x40, s22;
	[tilespmem:s20+$0x1830 ss:$0x81] =	vst.msk $0xffff, v3  }
.Ltmp4:
0x39: {  	(pc) =	sbr.rel @p1 .LBB1_3-.Ltmp4, $4  }
0x3a: {  	_ = 	snop  }
0x3b: {  	[tilespmem:s20+$0x810 ss:$0x81] =	vst.msk $0xffff, v1  }
0x3c: {  	[tilespmem:s20+$0x1020 ss:$0x81] =	vst.msk $0xffff, v0  }
0x3d: {  	s19 =	simm.s32 $0x1;
	p2 =	por $0x0, $0x0;
	[tilespmem:s20+$0x0 ss:$0x81] =	vst.msk $0xffff, v2  }
0x3e: {  	s17 =	sshll.u32 s14, $0x3;
	s18 =	sand.u32 $0x78, s14;
	s15 =	sshll.u32 s15, $0xF  }
.Ltmp5:
0x3f: {  	s30 =	sand.u32 $0x7E00, s14;
	s17 =	sand.u32 $0xC00, s17;
	(pc) =	sbr.rel .LBB1_7-.Ltmp5, $4  }
0x40: {  	s31 =	sand.u32 $0x7, s14;
	s15 =	sadd.s32 s2, s15;
	s17 =	sor.u32 s18, s17  }
0x41: {  	s14 =	sshll.u32 s31, $0x12;
	s15 =	sadd.s32 s30, s15;
	s17 =	sshrl.u32 s17, $0x3  }
0x42: {  	s14 =	sor.u32 $0x400, s14;
	s15 =	sadd.s32 s17, s15  }
0x43: {  	[hbm4b:s15+s14] =	stream.strided.scatter [tilespmem:s16], [sflag:$0x2], $0x4000, s10, s14, $0x20;
	[tilespmem:$0x10100] =	vst v63  }
.LBB1_8:
0x44: {  	_ =	sfence.sel $0x180000  }
0x45: {  	s2 =	simm.s32 $0x1;
	[bflag:$0x0] =	sbarrier.arrive $0xFFFF  }
0x46: {  	s31 =	simm.s32 $0x2;
	[sflag:s2] =	ssyncpa.u1 $0x1  }
0x47: {  	[sflag:s31] =	ssyncpa.u1 $0x1  }
0x48: {  	p0 =	sne.s32 s1, $0x0;
	_ =	strace $0x90000047  }
0x49: {  	s0 =	sadd.s32 @!p0 $0x100000, s0;
	[bflag:$0x2] =	sbarrier.arrive $0xFFFF  }
0x4a: {  	[sflag:s0] =	ssyncadd.tile.s32 @!p0 $0x1;
	_ =	shalt  }
.Lfunc_end1:
_tile_overlayer_lowered:
.L_overlay_start_2:
0x4b: {  	(tag) =	ssettag $0x2  }
0x4c: {  	s0 =	rddreg [dreg:$0x0];
	s2 =	stileid.u32  }
0x4d: {  	s1 =	rddreg [dreg:$0x1];
	p0 =	sne.s32 s2, $0x0  }
0x4e: {  	s3 =	rddreg [dreg:$0x2];
	[bflag:$0x3] =	sbarrier.arrive $0xFFFF;
	s2 =	simm.s32 @!p0 $0x1C01  }
0x4f: {  	[timem:s3], [sflag:s2] =	dma.local @!p0 [hbm:s0], s1  }
0x50: {  	s0 =	simm.s32 @!p0 $0x1  }
0x51: {  	_ =	swait.ge @!p0 [sflag:s0], s1  }
0x52: {  	s1 =	ssub.s32 @!p0 $0x0, s1;
	[sflag:s0] =	ssyncset.done @!p0 $0x0  }
0x53: {  	[sflag:s0] =	ssyncadd.s32 @!p0 s1  }
0x54: {  	[bflag:$0x3] =	sbarrier.arrive $0xFFFF  }
0x55: {  	_ =	shalt  }

</sc_bundles>
